<compile_context>
chip_gen: v7x
topology: tpu7x:2x2x1
jax: 0.10.2.dev20260603
libtpu: 0.0.44.dev20260713+nightly
codegen_flags: <defaults>
</compile_context>

<pallas_src>
import functools

import jax
import jax.numpy as jnp
from jax import lax
from jax.experimental import pallas as pl
from jax.experimental.pallas import tpu as pltpu
from jax.experimental.pallas import tpu_sc as plsc

_N = 16384
_K = 8192
_D = 32

_BN = 512
_KC = 4096


def _bf16_round(x):
    return x.astype(jnp.bfloat16).astype(jnp.float32)


def _argmin_body(z_ref, c_ref, zz_ref, idx_ref):
    z = z_ref[...]
    zz = zz_ref[...][:, None]
    lane = lax.broadcasted_iota(jnp.int32, (_BN, 128), 1)
    acc = None
    idx = None
    for kc in range(0, _K, _KC):
        c = c_ref[kc:kc + _KC, :]
        cc = jnp.sum(c * c, axis=1)
        mm = lax.dot_general(z, c, (((1,), (1,)), ((), ())),
                             preferred_element_type=jnp.float32)
        d = zz - 2.0 * mm + cc[None, :]
        best_val = jnp.full((_BN, 128), jnp.inf, jnp.float32)
        best_idx = jnp.zeros((_BN, 128), jnp.int32)
        for s in range(0, _KC, 128):
            strip = d[:, s:s + 128]
            sidx = lane + (kc + s)
            m = strip < best_val
            best_idx = jnp.where(m, sidx, best_idx)
            best_val = jnp.where(m, strip, best_val)
        w = jnp.min(best_val, axis=1)
        j = jnp.min(jnp.where(best_val == w[:, None], best_idx, _K), axis=1)
        if acc is None:
            acc = _bf16_round(w)
            idx = j
        else:
            take = w < acc
            idx = jnp.where(take, j, idx)
            acc = jnp.where(take, _bf16_round(w), acc)
    idx_ref[...] = idx


def _make_argmin_call(interpret=False):
    return pl.pallas_call(
        _argmin_body,
        grid=(_N // _BN,),
        in_specs=[
            pl.BlockSpec((_BN, _D), lambda i: (i, 0)),
            pl.BlockSpec((_K, _D), lambda i: (0, 0)),
            pl.BlockSpec((_BN,), lambda i: (i,)),
        ],
        out_specs=pl.BlockSpec((_BN,), lambda i: (i,)),
        out_shape=jax.ShapeDtypeStruct((_N,), jnp.int32),
        interpret=interpret,
    )


def _gather_call(codebook, indices):
    info = plsc.get_sparse_core_info()
    nw = info.num_cores * info.num_subcores
    bpw = _N // nw
    mesh = plsc.VectorSubcoreMesh(core_axis_name="c", subcore_axis_name="s")

    @functools.partial(
        pl.kernel, mesh=mesh,
        out_type=jax.ShapeDtypeStruct((_N, _D), jnp.float32),
        compiler_params=pltpu.CompilerParams(use_tc_tiling_on_sc=False),
        scratch_types=[
            pltpu.VMEM((bpw,), jnp.int32),
            pltpu.VMEM((bpw, _D), jnp.float32),
            pltpu.SemaphoreType.DMA,
        ],
    )
    def k(table_hbm, idx_hbm, out_hbm, idx_v, rows_v, sem):
        wid = lax.axis_index("s") * info.num_cores + lax.axis_index("c")
        base = wid * bpw
        pltpu.sync_copy(idx_hbm.at[pl.ds(base, bpw)], idx_v)
        pltpu.async_copy(table_hbm.at[idx_v], rows_v, sem).wait()
        pltpu.sync_copy(rows_v, out_hbm.at[pl.ds(base, bpw)])

    return k(codebook, indices)


def kernel(z_e_x, codebook):
    zz = jnp.sum(z_e_x * z_e_x, axis=1)
    idx = _make_argmin_call()(z_e_x, codebook, zz)
    z_q = _gather_call(codebook, idx)
    return (z_q, z_q)

# --- scband reference (transcript-rebuilt; emitter-appended) ---
"""Pipeline reference for scband-vector-quantize-78245714198900 (READ-ONLY COPY).

The authoritative reference and input builder live on the scoring server;
editing this copy changes nothing except your own understanding.
"""

import jax, jax.numpy as jnp
import numpy as np

K = 8192
D = 32
N = 16384

def setup_inputs(seed: int = 0) -> dict:
    key = jax.random.key(seed)
    k1, k2 = jax.random.split(key)
    z_e_x = jax.random.normal(k1, (N, D), dtype=jnp.float32)
    codebook = jax.random.uniform(k2, (K, D), dtype=jnp.float32, minval=-1.0 / K, maxval=1.0 / K)
    return {"z_e_x": z_e_x, "codebook": codebook}

def reference(z_e_x, codebook):
    # vector_quantize.apply: nearest-neighbour lookup into the (detached) codebook
    d = (jnp.sum(z_e_x ** 2, axis=1, keepdims=True)
         - 2.0 * (z_e_x @ codebook.T)
         + jnp.sum(codebook ** 2, axis=1)[None, :])
    indices = jnp.argmin(d, axis=1)
    # z_q_x: quantized output from detached weights (no grad path to codebook)
    z_q_x = jnp.take(codebook, indices, axis=0)
    # z_q_x_grd: torch.index_select on the live codebook weight (grad path to codebook)
    z_q_x_grd = jnp.take(codebook, indices, axis=0)
    return (z_q_x, z_q_x_grd)

if __name__ == "__main__":
    import jax
    _d = setup_inputs()
    print(jax.jit(kernel)(*tuple(_d.values())))

</pallas_src>

<mosaic_0001>
#map = affine_map<(d0, d1) -> (0, 0)>
#map1 = affine_map<(d0, d1) -> (0)>
module attributes {stable_mosaic.version = 14 : i64} {
  func.func @k(%arg0: i32, %arg1: i32, %arg2: memref<8192x32xf32, #tpu.memory_space<hbm>>, %arg3: memref<16384xi32, #tpu.memory_space<hbm>>, %arg4: memref<16384x32xf32, #tpu.memory_space<hbm>>, %arg5: memref<512xi32, #tpu.memory_space<vmem>>, %arg6: memref<512x32xf32, #tpu.memory_space<vmem>>, %arg7: memref<!tpu.dma_semaphore, #tpu.memory_space<semaphore_mem>>) attributes {dimension_semantics = [#tpu.dimension_semantics<core_parallel>, #tpu.dimension_semantics<subcore_parallel>], iteration_bounds = array<i64: 2, 16>, scalar_prefetch = 0 : i64, scratch_operands = 3 : i64, tpu.core_type = #tpu.core_type<sc_vector_subcore>, window_params = [{transform_indices = #map}, {transform_indices = #map1}, {transform_indices = #map}]} {
    %mul3A = arith.constant 2 : i32
    %mul3A_0 = arith.muli %arg1, %mul3A : i32
    %add3A = arith.addi %mul3A_0, %arg0 : i32
    %mul3A_1 = arith.constant 512 : i32
    %mul3A_2 = arith.muli %add3A, %mul3A_1 : i32
    "tpu.region"() ({
      %run_scoped3A = tpu.sem_alloc : memref<!tpu.dma_semaphore, #tpu.memory_space<semaphore_mem>>
      %dma_start3A_7 = tpu.memref_slice %arg3[%mul3A_2] : memref<16384xi32, #tpu.memory_space<hbm>> -> memref<512xi32, #tpu.memory_space<hbm>>
      %dma_start3A_8 = tpu.memref_slice %arg3[%mul3A_2] : memref<16384xi32, #tpu.memory_space<hbm>> -> memref<512xi32, #tpu.memory_space<hbm>>
      tpu.enqueue_dma source(%dma_start3A_8 : memref<512xi32, #tpu.memory_space<hbm>>) target(%arg5 : memref<512xi32, #tpu.memory_space<vmem>>) target_semaphore(%run_scoped3A : memref<!tpu.dma_semaphore, #tpu.memory_space<semaphore_mem>>)
      %dma_wait3A_9 = tpu.memref_slice %arg3[%mul3A_2] : memref<16384xi32, #tpu.memory_space<hbm>> -> memref<512xi32, #tpu.memory_space<hbm>>
      %dma_wait3A_10 = tpu.memref_slice %arg3[%mul3A_2] : memref<16384xi32, #tpu.memory_space<hbm>> -> memref<512xi32, #tpu.memory_space<hbm>>
      tpu.wait_dma2 semaphore(%run_scoped3A : memref<!tpu.dma_semaphore, #tpu.memory_space<semaphore_mem>>) src(%dma_wait3A_10 : memref<512xi32, #tpu.memory_space<hbm>>) dst(%arg5 : memref<512xi32, #tpu.memory_space<vmem>>)
      tpu.yield
    }) : () -> ()
    %dma_start3A = arith.constant 0 : i32
    %dma_start3A_3 = arith.constant 0 : i32
    %dma_start3A_4 = tpu.memref_slice %arg2[%dma_start3A, %dma_start3A_3] : memref<8192x32xf32, #tpu.memory_space<hbm>> -> memref<8192x32xf32, #tpu.memory_space<hbm>>
    tpu.enqueue_indirect_dma source(%dma_start3A_4 : memref<8192x32xf32, #tpu.memory_space<hbm>>) target(%arg6 : memref<512x32xf32, #tpu.memory_space<vmem>>) offsets(%arg5 : memref<512xi32, #tpu.memory_space<vmem>>) semaphore(%arg7 : memref<!tpu.dma_semaphore, #tpu.memory_space<semaphore_mem>>)
    %dma_wait3A = arith.constant 0 : i32
    %dma_wait3A_5 = arith.constant 0 : i32
    %dma_wait3A_6 = tpu.memref_slice %arg2[%dma_wait3A, %dma_wait3A_5] : memref<8192x32xf32, #tpu.memory_space<hbm>> -> memref<8192x32xf32, #tpu.memory_space<hbm>>
    tpu.wait_indirect_dma semaphore(%arg7 : memref<!tpu.dma_semaphore, #tpu.memory_space<semaphore_mem>>) src(%dma_wait3A_6 : memref<8192x32xf32, #tpu.memory_space<hbm>>) dst(%arg6 : memref<512x32xf32, #tpu.memory_space<vmem>>)
    "tpu.region"() ({
      %run_scoped3A = tpu.sem_alloc : memref<!tpu.dma_semaphore, #tpu.memory_space<semaphore_mem>>
      %dma_start3A_7 = arith.constant 0 : i32
      %dma_start3A_8 = tpu.memref_slice %arg4[%mul3A_2, %dma_start3A_7] : memref<16384x32xf32, #tpu.memory_space<hbm>> -> memref<512x32xf32, #tpu.memory_space<hbm>>
      %dma_start3A_9 = arith.constant 0 : i32
      %dma_start3A_10 = tpu.memref_slice %arg4[%mul3A_2, %dma_start3A_9] : memref<16384x32xf32, #tpu.memory_space<hbm>> -> memref<512x32xf32, #tpu.memory_space<hbm>>
      tpu.enqueue_dma source(%arg6 : memref<512x32xf32, #tpu.memory_space<vmem>>) target(%dma_start3A_10 : memref<512x32xf32, #tpu.memory_space<hbm>>) target_semaphore(%run_scoped3A : memref<!tpu.dma_semaphore, #tpu.memory_space<semaphore_mem>>)
      %dma_wait3A_11 = arith.constant 0 : i32
      %dma_wait3A_12 = tpu.memref_slice %arg4[%mul3A_2, %dma_wait3A_11] : memref<16384x32xf32, #tpu.memory_space<hbm>> -> memref<512x32xf32, #tpu.memory_space<hbm>>
      %dma_wait3A_13 = arith.constant 0 : i32
      %dma_wait3A_14 = tpu.memref_slice %arg4[%mul3A_2, %dma_wait3A_13] : memref<16384x32xf32, #tpu.memory_space<hbm>> -> memref<512x32xf32, #tpu.memory_space<hbm>>
      tpu.wait_dma2 semaphore(%run_scoped3A : memref<!tpu.dma_semaphore, #tpu.memory_space<semaphore_mem>>) src(%arg6 : memref<512x32xf32, #tpu.memory_space<vmem>>) dst(%dma_wait3A_14 : memref<512x32xf32, #tpu.memory_space<hbm>>)
      tpu.yield
    }) : () -> ()
    return
  }
}

module attributes {stable_mosaic.version = 14 : i64} {
  func.func @_argmin_body(%arg0: i32, %arg1: memref<512x32xf32, #tpu.memory_space<vmem>>, %arg2: memref<8192x32xf32, #tpu.memory_space<vmem>>, %arg3: memref<512xf32, #tpu.memory_space<vmem>>, %arg4: memref<512xi32, #tpu.memory_space<vmem>>) attributes {dimension_semantics = [#tpu.dimension_semantics<arbitrary>], iteration_bounds = array<i64: 32>, scalar_prefetch = 0 : i64, scratch_operands = 0 : i64, tpu.core_type = #tpu.core_type<tc>, window_params = [{transform_indices = @transform_0, window_bounds = array<i64: 512, 32>}, {pipeline_mode = #tpu.pipeline_mode<synchronous>, transform_indices = @transform_1, window_bounds = array<i64: 8192, 32>}, {transform_indices = @transform_2, window_bounds = array<i64: 512>}, {transform_indices = @transform_3, window_bounds = array<i64: 512>}]} {
    %get3A = arith.constant 0 : index
    %get3A_0 = arith.constant 0 : index
    %get3A_1 = vector.load %arg1[%get3A, %get3A_0] : memref<512x32xf32, #tpu.memory_space<vmem>>, vector<512x32xf32>
    %get3A_2 = arith.constant 0 : index
    %get3A_3 = vector.load %arg3[%get3A_2] : memref<512xf32, #tpu.memory_space<vmem>>, vector<512xf32>
    %broadcast_in_dim3A = vector.shape_cast %get3A_3 : vector<512xf32> to vector<512x1xf32>
    %iota3A = tpu.iota {dimensions = array<i32: 1>} : vector<512x128xi32>
    %get3A_4 = arith.constant 0 : index
    %get3A_5 = arith.constant 0 : index
    %get3A_6 = vector.load %arg2[%get3A_4, %get3A_5] : memref<8192x32xf32, #tpu.memory_space<vmem>>, vector<4096x32xf32>
    %mul3A = arith.mulf %get3A_6, %get3A_6 : vector<4096x32xf32>
    %reduce_sum3A = arith.constant dense<0.000000e+00> : vector<4096xf32>
    %reduce_sum3A_7 = vector.multi_reduction <add>, %mul3A, %reduce_sum3A [1] : vector<4096x32xf32> to vector<4096xf32>
    %dot_general3A = arith.constant dense<0.000000e+00> : vector<512x4096xf32>
    %dot_general3A_8 = tpu.matmul %get3A_1, %get3A_6, %dot_general3A {dimension_numbers = #tpu.dot_dimension_numbers<[1], [1], [0], [0], [0, 0, 1, 0], [], []>, transpose_lhs_hint = false} : vector<512x32xf32>, vector<4096x32xf32>, vector<512x4096xf32> -> vector<512x4096xf32>
    %mul3A_9 = arith.constant 2.000000e+00 : f32
    %mul3A_10 = vector.broadcast %mul3A_9 : f32 to vector<512x4096xf32>
    %mul3A_11 = arith.mulf %mul3A_10, %dot_general3A_8 : vector<512x4096xf32>
    %sub3A = vector.broadcast %broadcast_in_dim3A : vector<512x1xf32> to vector<512x4096xf32>
    %sub3A_12 = arith.subf %sub3A, %mul3A_11 : vector<512x4096xf32>
    %broadcast_in_dim3A_13 = vector.shape_cast %reduce_sum3A_7 : vector<4096xf32> to vector<1x4096xf32>
    %add3A = vector.broadcast %broadcast_in_dim3A_13 : vector<1x4096xf32> to vector<512x4096xf32>
    %add3A_14 = arith.addf %sub3A_12, %add3A : vector<512x4096xf32>
    %broadcast_in_dim3A_15 = arith.constant 0x7F800000 : f32
    %broadcast_in_dim3A_16 = vector.broadcast %broadcast_in_dim3A_15 : f32 to vector<512x128xf32>
    %broadcast_in_dim3A_17 = arith.constant 0 : i32
    %broadcast_in_dim3A_18 = vector.broadcast %broadcast_in_dim3A_17 : i32 to vector<512x128xi32>
    %slice3A = vector.extract_strided_slice %add3A_14 {offsets = [0, 0], sizes = [512, 128], strides = [1, 1]} : vector<512x4096xf32> to vector<512x128xf32>
    %add3A_19 = arith.constant 0 : i32
    %add3A_20 = vector.broadcast %add3A_19 : i32 to vector<512x128xi32>
    %add3A_21 = arith.addi %iota3A, %add3A_20 : vector<512x128xi32>
    %lt3A = arith.cmpf olt, %slice3A, %broadcast_in_dim3A_16 : vector<512x128xf32>
    %select_n3A = arith.select %lt3A, %add3A_21, %broadcast_in_dim3A_18 : vector<512x128xi1>, vector<512x128xi32>
    %select_n3A_22 = arith.select %lt3A, %slice3A, %broadcast_in_dim3A_16 : vector<512x128xi1>, vector<512x128xf32>
    %slice3A_23 = vector.extract_strided_slice %add3A_14 {offsets = [0, 128], sizes = [512, 128], strides = [1, 1]} : vector<512x4096xf32> to vector<512x128xf32>
    %add3A_24 = arith.constant 128 : i32
    %add3A_25 = vector.broadcast %add3A_24 : i32 to vector<512x128xi32>
    %add3A_26 = arith.addi %iota3A, %add3A_25 : vector<512x128xi32>
    %lt3A_27 = arith.cmpf olt, %slice3A_23, %select_n3A_22 : vector<512x128xf32>
    %select_n3A_28 = arith.select %lt3A_27, %add3A_26, %select_n3A : vector<512x128xi1>, vector<512x128xi32>
    %select_n3A_29 = arith.select %lt3A_27, %slice3A_23, %select_n3A_22 : vector<512x128xi1>, vector<512x128xf32>
    %slice3A_30 = vector.extract_strided_slice %add3A_14 {offsets = [0, 256], sizes = [512, 128], strides = [1, 1]} : vector<512x4096xf32> to vector<512x128xf32>
    %add3A_31 = arith.constant 256 : i32
    %add3A_32 = vector.broadcast %add3A_31 : i32 to vector<512x128xi32>
    %add3A_33 = arith.addi %iota3A, %add3A_32 : vector<512x128xi32>
    %lt3A_34 = arith.cmpf olt, %slice3A_30, %select_n3A_29 : vector<512x128xf32>
    %select_n3A_35 = arith.select %lt3A_34, %add3A_33, %select_n3A_28 : vector<512x128xi1>, vector<512x128xi32>
    %select_n3A_36 = arith.select %lt3A_34, %slice3A_30, %select_n3A_29 : vector<512x128xi1>, vector<512x128xf32>
    %slice3A_37 = vector.extract_strided_slice %add3A_14 {offsets = [0, 384], sizes = [512, 128], strides = [1, 1]} : vector<512x4096xf32> to vector<512x128xf32>
    %add3A_38 = arith.constant 384 : i32
    %add3A_39 = vector.broadcast %add3A_38 : i32 to vector<512x128xi32>
    %add3A_40 = arith.addi %iota3A, %add3A_39 : vector<512x128xi32>
    %lt3A_41 = arith.cmpf olt, %slice3A_37, %select_n3A_36 : vector<512x128xf32>
    %select_n3A_42 = arith.select %lt3A_41, %add3A_40, %select_n3A_35 : vector<512x128xi1>, vector<512x128xi32>
    %select_n3A_43 = arith.select %lt3A_41, %slice3A_37, %select_n3A_36 : vector<512x128xi1>, vector<512x128xf32>
    %slice3A_44 = vector.extract_strided_slice %add3A_14 {offsets = [0, 512], sizes = [512, 128], strides = [1, 1]} : vector<512x4096xf32> to vector<512x128xf32>
    %add3A_45 = arith.constant 512 : i32
    %add3A_46 = vector.broadcast %add3A_45 : i32 to vector<512x128xi32>
    %add3A_47 = arith.addi %iota3A, %add3A_46 : vector<512x128xi32>
    %lt3A_48 = arith.cmpf olt, %slice3A_44, %select_n3A_43 : vector<512x128xf32>
    %select_n3A_49 = arith.select %lt3A_48, %add3A_47, %select_n3A_42 : vector<512x128xi1>, vector<512x128xi32>
    %select_n3A_50 = arith.select %lt3A_48, %slice3A_44, %select_n3A_43 : vector<512x128xi1>, vector<512x128xf32>
    %slice3A_51 = vector.extract_strided_slice %add3A_14 {offsets = [0, 640], sizes = [512, 128], strides = [1, 1]} : vector<512x4096xf32> to vector<512x128xf32>
    %add3A_52 = arith.constant 640 : i32
    %add3A_53 = vector.broadcast %add3A_52 : i32 to vector<512x128xi32>
    %add3A_54 = arith.addi %iota3A, %add3A_53 : vector<512x128xi32>
    %lt3A_55 = arith.cmpf olt, %slice3A_51, %select_n3A_50 : vector<512x128xf32>
    %select_n3A_56 = arith.select %lt3A_55, %add3A_54, %select_n3A_49 : vector<512x128xi1>, vector<512x128xi32>
    %select_n3A_57 = arith.select %lt3A_55, %slice3A_51, %select_n3A_50 : vector<512x128xi1>, vector<512x128xf32>
    %slice3A_58 = vector.extract_strided_slice %add3A_14 {offsets = [0, 768], sizes = [512, 128], strides = [1, 1]} : vector<512x4096xf32> to vector<512x128xf32>
    %add3A_59 = arith.constant 768 : i32
    %add3A_60 = vector.broadcast %add3A_59 : i32 to vector<512x128xi32>
    %add3A_61 = arith.addi %iota3A, %add3A_60 : vector<512x128xi32>
    %lt3A_62 = arith.cmpf olt, %slice3A_58, %select_n3A_57 : vector<512x128xf32>
    %select_n3A_63 = arith.select %lt3A_62, %add3A_61, %select_n3A_56 : vector<512x128xi1>, vector<512x128xi32>
    %select_n3A_64 = arith.select %lt3A_62, %slice3A_58, %select_n3A_57 : vector<512x128xi1>, vector<512x128xf32>
    %slice3A_65 = vector.extract_strided_slice %add3A_14 {offsets = [0, 896], sizes = [512, 128], strides = [1, 1]} : vector<512x4096xf32> to vector<512x128xf32>
    %add3A_66 = arith.constant 896 : i32
    %add3A_67 = vector.broadcast %add3A_66 : i32 to vector<512x128xi32>
    %add3A_68 = arith.addi %iota3A, %add3A_67 : vector<512x128xi32>
    %lt3A_69 = arith.cmpf olt, %slice3A_65, %select_n3A_64 : vector<512x128xf32>
    %select_n3A_70 = arith.select %lt3A_69, %add3A_68, %select_n3A_63 : vector<512x128xi1>, vector<512x128xi32>
    %select_n3A_71 = arith.select %lt3A_69, %slice3A_65, %select_n3A_64 : vector<512x128xi1>, vector<512x128xf32>
    %slice3A_72 = vector.extract_strided_slice %add3A_14 {offsets = [0, 1024], sizes = [512, 128], strides = [1, 1]} : vector<512x4096xf32> to vector<512x128xf32>
    %add3A_73 = arith.constant 1024 : i32
    %add3A_74 = vector.broadcast %add3A_73 : i32 to vector<512x128xi32>
    %add3A_75 = arith.addi %iota3A, %add3A_74 : vector<512x128xi32>
    %lt3A_76 = arith.cmpf olt, %slice3A_72, %select_n3A_71 : vector<512x128xf32>
    %select_n3A_77 = arith.select %lt3A_76, %add3A_75, %select_n3A_70 : vector<512x128xi1>, vector<512x128xi32>
    %select_n3A_78 = arith.select %lt3A_76, %slice3A_72, %select_n3A_71 : vector<512x128xi1>, vector<512x128xf32>
    %slice3A_79 = vector.extract_strided_slice %add3A_14 {offsets = [0, 1152], sizes = [512, 128], strides = [1, 1]} : vector<512x4096xf32> to vector<512x128xf32>
    %add3A_80 = arith.constant 1152 : i32
    %add3A_81 = vector.broadcast %add3A_80 : i32 to vector<512x128xi32>
    %add3A_82 = arith.addi %iota3A, %add3A_81 : vector<512x128xi32>
    %lt3A_83 = arith.cmpf olt, %slice3A_79, %select_n3A_78 : vector<512x128xf32>
    %select_n3A_84 = arith.select %lt3A_83, %add3A_82, %select_n3A_77 : vector<512x128xi1>, vector<512x128xi32>
    %select_n3A_85 = arith.select %lt3A_83, %slice3A_79, %select_n3A_78 : vector<512x128xi1>, vector<512x128xf32>
    %slice3A_86 = vector.extract_strided_slice %add3A_14 {offsets = [0, 1280], sizes = [512, 128], strides = [1, 1]} : vector<512x4096xf32> to vector<512x128xf32>
    %add3A_87 = arith.constant 1280 : i32
    %add3A_88 = vector.broadcast %add3A_87 : i32 to vector<512x128xi32>
    %add3A_89 = arith.addi %iota3A, %add3A_88 : vector<512x128xi32>
    %lt3A_90 = arith.cmpf olt, %slice3A_86, %select_n3A_85 : vector<512x128xf32>
    %select_n3A_91 = arith.select %lt3A_90, %add3A_89, %select_n3A_84 : vector<512x128xi1>, vector<512x128xi32>
    %select_n3A_92 = arith.select %lt3A_90, %slice3A_86, %select_n3A_85 : vector<512x128xi1>, vector<512x128xf32>
    %slice3A_93 = vector.extract_strided_slice %add3A_14 {offsets = [0, 1408], sizes = [512, 128], strides = [1, 1]} : vector<512x4096xf32> to vector<512x128xf32>
    %add3A_94 = arith.constant 1408 : i32
    %add3A_95 = vector.broadcast %add3A_94 : i32 to vector<512x128xi32>
    %add3A_96 = arith.addi %iota3A, %add3A_95 : vector<512x128xi32>
    %lt3A_97 = arith.cmpf olt, %slice3A_93, %select_n3A_92 : vector<512x128xf32>
    %select_n3A_98 = arith.select %lt3A_97, %add3A_96, %select_n3A_91 : vector<512x128xi1>, vector<512x128xi32>
    %select_n3A_99 = arith.select %lt3A_97, %slice3A_93, %select_n3A_92 : vector<512x128xi1>, vector<512x128xf32>
    %slice3A_100 = vector.extract_strided_slice %add3A_14 {offsets = [0, 1536], sizes = [512, 128], strides = [1, 1]} : vector<512x4096xf32> to vector<512x128xf32>
    %add3A_101 = arith.constant 1536 : i32
    %add3A_102 = vector.broadcast %add3A_101 : i32 to vector<512x128xi32>
    %add3A_103 = arith.addi %iota3A, %add3A_102 : vector<512x128xi32>
    %lt3A_104 = arith.cmpf olt, %slice3A_100, %select_n3A_99 : vector<512x128xf32>
    %select_n3A_105 = arith.select %lt3A_104, %add3A_103, %select_n3A_98 : vector<512x128xi1>, vector<512x128xi32>
    %select_n3A_106 = arith.select %lt3A_104, %slice3A_100, %select_n3A_99 : vector<512x128xi1>, vector<512x128xf32>
    %slice3A_107 = vector.extract_strided_slice %add3A_14 {offsets = [0, 1664], sizes = [512, 128], strides = [1, 1]} : vector<512x4096xf32> to vector<512x128xf32>
    %add3A_108 = arith.constant 1664 : i32
    %add3A_109 = vector.broadcast %add3A_108 : i32 to vector<512x128xi32>
    %add3A_110 = arith.addi %iota3A, %add3A_109 : vector<512x128xi32>
    %lt3A_111 = arith.cmpf olt, %slice3A_107, %select_n3A_106 : vector<512x128xf32>
    %select_n3A_112 = arith.select %lt3A_111, %add3A_110, %select_n3A_105 : vector<512x128xi1>, vector<512x128xi32>
    %select_n3A_113 = arith.select %lt3A_111, %slice3A_107, %select_n3A_106 : vector<512x128xi1>, vector<512x128xf32>
    %slice3A_114 = vector.extract_strided_slice %add3A_14 {offsets = [0, 1792], sizes = [512, 128], strides = [1, 1]} : vector<512x4096xf32> to vector<512x128xf32>
    %add3A_115 = arith.constant 1792 : i32
    %add3A_116 = vector.broadcast %add3A_115 : i32 to vector<512x128xi32>
    %add3A_117 = arith.addi %iota3A, %add3A_116 : vector<512x128xi32>
    %lt3A_118 = arith.cmpf olt, %slice3A_114, %select_n3A_113 : vector<512x128xf32>
    %select_n3A_119 = arith.select %lt3A_118, %add3A_117, %select_n3A_112 : vector<512x128xi1>, vector<512x128xi32>
    %select_n3A_120 = arith.select %lt3A_118, %slice3A_114, %select_n3A_113 : vector<512x128xi1>, vector<512x128xf32>
    %slice3A_121 = vector.extract_strided_slice %add3A_14 {offsets = [0, 1920], sizes = [512, 128], strides = [1, 1]} : vector<512x4096xf32> to vector<512x128xf32>
    %add3A_122 = arith.constant 1920 : i32
    %add3A_123 = vector.broadcast %add3A_122 : i32 to vector<512x128xi32>
    %add3A_124 = arith.addi %iota3A, %add3A_123 : vector<512x128xi32>
    %lt3A_125 = arith.cmpf olt, %slice3A_121, %select_n3A_120 : vector<512x128xf32>
    %select_n3A_126 = arith.select %lt3A_125, %add3A_124, %select_n3A_119 : vector<512x128xi1>, vector<512x128xi32>
    %select_n3A_127 = arith.select %lt3A_125, %slice3A_121, %select_n3A_120 : vector<512x128xi1>, vector<512x128xf32>
    %slice3A_128 = vector.extract_strided_slice %add3A_14 {offsets = [0, 2048], sizes = [512, 128], strides = [1, 1]} : vector<512x4096xf32> to vector<512x128xf32>
    %add3A_129 = arith.constant 2048 : i32
    %add3A_130 = vector.broadcast %add3A_129 : i32 to vector<512x128xi32>
    %add3A_131 = arith.addi %iota3A, %add3A_130 : vector<512x128xi32>
    %lt3A_132 = arith.cmpf olt, %slice3A_128, %select_n3A_127 : vector<512x128xf32>
    %select_n3A_133 = arith.select %lt3A_132, %add3A_131, %select_n3A_126 : vector<512x128xi1>, vector<512x128xi32>
    %select_n3A_134 = arith.select %lt3A_132, %slice3A_128, %select_n3A_127 : vector<512x128xi1>, vector<512x128xf32>
    %slice3A_135 = vector.extract_strided_slice %add3A_14 {offsets = [0, 2176], sizes = [512, 128], strides = [1, 1]} : vector<512x4096xf32> to vector<512x128xf32>
    %add3A_136 = arith.constant 2176 : i32
    %add3A_137 = vector.broadcast %add3A_136 : i32 to vector<512x128xi32>
    %add3A_138 = arith.addi %iota3A, %add3A_137 : vector<512x128xi32>
    %lt3A_139 = arith.cmpf olt, %slice3A_135, %select_n3A_134 : vector<512x128xf32>
    %select_n3A_140 = arith.select %lt3A_139, %add3A_138, %select_n3A_133 : vector<512x128xi1>, vector<512x128xi32>
    %select_n3A_141 = arith.select %lt3A_139, %slice3A_135, %select_n3A_134 : vector<512x128xi1>, vector<512x128xf32>
    %slice3A_142 = vector.extract_strided_slice %add3A_14 {offsets = [0, 2304], sizes = [512, 128], strides = [1, 1]} : vector<512x4096xf32> to vector<512x128xf32>
    %add3A_143 = arith.constant 2304 : i32
    %add3A_144 = vector.broadcast %add3A_143 : i32 to vector<512x128xi32>
    %add3A_145 = arith.addi %iota3A, %add3A_144 : vector<512x128xi32>
    %lt3A_146 = arith.cmpf olt, %slice3A_142, %select_n3A_141 : vector<512x128xf32>
    %select_n3A_147 = arith.select %lt3A_146, %add3A_145, %select_n3A_140 : vector<512x128xi1>, vector<512x128xi32>
    %select_n3A_148 = arith.select %lt3A_146, %slice3A_142, %select_n3A_141 : vector<512x128xi1>, vector<512x128xf32>
    %slice3A_149 = vector.extract_strided_slice %add3A_14 {offsets = [0, 2432], sizes = [512, 128], strides = [1, 1]} : vector<512x4096xf32> to vector<512x128xf32>
    %add3A_150 = arith.constant 2432 : i32
    %add3A_151 = vector.broadcast %add3A_150 : i32 to vector<512x128xi32>
    %add3A_152 = arith.addi %iota3A, %add3A_151 : vector<512x128xi32>
    %lt3A_153 = arith.cmpf olt, %slice3A_149, %select_n3A_148 : vector<512x128xf32>
    %select_n3A_154 = arith.select %lt3A_153, %add3A_152, %select_n3A_147 : vector<512x128xi1>, vector<512x128xi32>
    %select_n3A_155 = arith.select %lt3A_153, %slice3A_149, %select_n3A_148 : vector<512x128xi1>, vector<512x128xf32>
    %slice3A_156 = vector.extract_strided_slice %add3A_14 {offsets = [0, 2560], sizes = [512, 128], strides = [1, 1]} : vector<512x4096xf32> to vector<512x128xf32>
    %add3A_157 = arith.constant 2560 : i32
    %add3A_158 = vector.broadcast %add3A_157 : i32 to vector<512x128xi32>
    %add3A_159 = arith.addi %iota3A, %add3A_158 : vector<512x128xi32>
    %lt3A_160 = arith.cmpf olt, %slice3A_156, %select_n3A_155 : vector<512x128xf32>
    %select_n3A_161 = arith.select %lt3A_160, %add3A_159, %select_n3A_154 : vector<512x128xi1>, vector<512x128xi32>
    %select_n3A_162 = arith.select %lt3A_160, %slice3A_156, %select_n3A_155 : vector<512x128xi1>, vector<512x128xf32>
    %slice3A_163 = vector.extract_strided_slice %add3A_14 {offsets = [0, 2688], sizes = [512, 128], strides = [1, 1]} : vector<512x4096xf32> to vector<512x128xf32>
    %add3A_164 = arith.constant 2688 : i32
    %add3A_165 = vector.broadcast %add3A_164 : i32 to vector<512x128xi32>
    %add3A_166 = arith.addi %iota3A, %add3A_165 : vector<512x128xi32>
    %lt3A_167 = arith.cmpf olt, %slice3A_163, %select_n3A_162 : vector<512x128xf32>
    %select_n3A_168 = arith.select %lt3A_167, %add3A_166, %select_n3A_161 : vector<512x128xi1>, vector<512x128xi32>
    %select_n3A_169 = arith.select %lt3A_167, %slice3A_163, %select_n3A_162 : vector<512x128xi1>, vector<512x128xf32>
    %slice3A_170 = vector.extract_strided_slice %add3A_14 {offsets = [0, 2816], sizes = [512, 128], strides = [1, 1]} : vector<512x4096xf32> to vector<512x128xf32>
    %add3A_171 = arith.constant 2816 : i32
    %add3A_172 = vector.broadcast %add3A_171 : i32 to vector<512x128xi32>
    %add3A_173 = arith.addi %iota3A, %add3A_172 : vector<512x128xi32>
    %lt3A_174 = arith.cmpf olt, %slice3A_170, %select_n3A_169 : vector<512x128xf32>
    %select_n3A_175 = arith.select %lt3A_174, %add3A_173, %select_n3A_168 : vector<512x128xi1>, vector<512x128xi32>
    %select_n3A_176 = arith.select %lt3A_174, %slice3A_170, %select_n3A_169 : vector<512x128xi1>, vector<512x128xf32>
    %slice3A_177 = vector.extract_strided_slice %add3A_14 {offsets = [0, 2944], sizes = [512, 128], strides = [1, 1]} : vector<512x4096xf32> to vector<512x128xf32>
    %add3A_178 = arith.constant 2944 : i32
    %add3A_179 = vector.broadcast %add3A_178 : i32 to vector<512x128xi32>
    %add3A_180 = arith.addi %iota3A, %add3A_179 : vector<512x128xi32>
    %lt3A_181 = arith.cmpf olt, %slice3A_177, %select_n3A_176 : vector<512x128xf32>
    %select_n3A_182 = arith.select %lt3A_181, %add3A_180, %select_n3A_175 : vector<512x128xi1>, vector<512x128xi32>
    %select_n3A_183 = arith.select %lt3A_181, %slice3A_177, %select_n3A_176 : vector<512x128xi1>, vector<512x128xf32>
    %slice3A_184 = vector.extract_strided_slice %add3A_14 {offsets = [0, 3072], sizes = [512, 128], strides = [1, 1]} : vector<512x4096xf32> to vector<512x128xf32>
    %add3A_185 = arith.constant 3072 : i32
    %add3A_186 = vector.broadcast %add3A_185 : i32 to vector<512x128xi32>
    %add3A_187 = arith.addi %iota3A, %add3A_186 : vector<512x128xi32>
    %lt3A_188 = arith.cmpf olt, %slice3A_184, %select_n3A_183 : vector<512x128xf32>
    %select_n3A_189 = arith.select %lt3A_188, %add3A_187, %select_n3A_182 : vector<512x128xi1>, vector<512x128xi32>
    %select_n3A_190 = arith.select %lt3A_188, %slice3A_184, %select_n3A_183 : vector<512x128xi1>, vector<512x128xf32>
    %slice3A_191 = vector.extract_strided_slice %add3A_14 {offsets = [0, 3200], sizes = [512, 128], strides = [1, 1]} : vector<512x4096xf32> to vector<512x128xf32>
    %add3A_192 = arith.constant 3200 : i32
    %add3A_193 = vector.broadcast %add3A_192 : i32 to vector<512x128xi32>
    %add3A_194 = arith.addi %iota3A, %add3A_193 : vector<512x128xi32>
    %lt3A_195 = arith.cmpf olt, %slice3A_191, %select_n3A_190 : vector<512x128xf32>
    %select_n3A_196 = arith.select %lt3A_195, %add3A_194, %select_n3A_189 : vector<512x128xi1>, vector<512x128xi32>
    %select_n3A_197 = arith.select %lt3A_195, %slice3A_191, %select_n3A_190 : vector<512x128xi1>, vector<512x128xf32>
    %slice3A_198 = vector.extract_strided_slice %add3A_14 {offsets = [0, 3328], sizes = [512, 128], strides = [1, 1]} : vector<512x4096xf32> to vector<512x128xf32>
    %add3A_199 = arith.constant 3328 : i32
    %add3A_200 = vector.broadcast %add3A_199 : i32 to vector<512x128xi32>
    %add3A_201 = arith.addi %iota3A, %add3A_200 : vector<512x128xi32>
    %lt3A_202 = arith.cmpf olt, %slice3A_198, %select_n3A_197 : vector<512x128xf32>
    %select_n3A_203 = arith.select %lt3A_202, %add3A_201, %select_n3A_196 : vector<512x128xi1>, vector<512x128xi32>
    %select_n3A_204 = arith.select %lt3A_202, %slice3A_198, %select_n3A_197 : vector<512x128xi1>, vector<512x128xf32>
    %slice3A_205 = vector.extract_strided_slice %add3A_14 {offsets = [0, 3456], sizes = [512, 128], strides = [1, 1]} : vector<512x4096xf32> to vector<512x128xf32>
    %add3A_206 = arith.constant 3456 : i32
    %add3A_207 = vector.broadcast %add3A_206 : i32 to vector<512x128xi32>
    %add3A_208 = arith.addi %iota3A, %add3A_207 : vector<512x128xi32>
    %lt3A_209 = arith.cmpf olt, %slice3A_205, %select_n3A_204 : vector<512x128xf32>
    %select_n3A_210 = arith.select %lt3A_209, %add3A_208, %select_n3A_203 : vector<512x128xi1>, vector<512x128xi32>
    %select_n3A_211 = arith.select %lt3A_209, %slice3A_205, %select_n3A_204 : vector<512x128xi1>, vector<512x128xf32>
    %slice3A_212 = vector.extract_strided_slice %add3A_14 {offsets = [0, 3584], sizes = [512, 128], strides = [1, 1]} : vector<512x4096xf32> to vector<512x128xf32>
    %add3A_213 = arith.constant 3584 : i32
    %add3A_214 = vector.broadcast %add3A_213 : i32 to vector<512x128xi32>
    %add3A_215 = arith.addi %iota3A, %add3A_214 : vector<512x128xi32>
    %lt3A_216 = arith.cmpf olt, %slice3A_212, %select_n3A_211 : vector<512x128xf32>
    %select_n3A_217 = arith.select %lt3A_216, %add3A_215, %select_n3A_210 : vector<512x128xi1>, vector<512x128xi32>
    %select_n3A_218 = arith.select %lt3A_216, %slice3A_212, %select_n3A_211 : vector<512x128xi1>, vector<512x128xf32>
    %slice3A_219 = vector.extract_strided_slice %add3A_14 {offsets = [0, 3712], sizes = [512, 128], strides = [1, 1]} : vector<512x4096xf32> to vector<512x128xf32>
    %add3A_220 = arith.constant 3712 : i32
    %add3A_221 = vector.broadcast %add3A_220 : i32 to vector<512x128xi32>
    %add3A_222 = arith.addi %iota3A, %add3A_221 : vector<512x128xi32>
    %lt3A_223 = arith.cmpf olt, %slice3A_219, %select_n3A_218 : vector<512x128xf32>
    %select_n3A_224 = arith.select %lt3A_223, %add3A_222, %select_n3A_217 : vector<512x128xi1>, vector<512x128xi32>
    %select_n3A_225 = arith.select %lt3A_223, %slice3A_219, %select_n3A_218 : vector<512x128xi1>, vector<512x128xf32>
    %slice3A_226 = vector.extract_strided_slice %add3A_14 {offsets = [0, 3840], sizes = [512, 128], strides = [1, 1]} : vector<512x4096xf32> to vector<512x128xf32>
    %add3A_227 = arith.constant 3840 : i32
    %add3A_228 = vector.broadcast %add3A_227 : i32 to vector<512x128xi32>
    %add3A_229 = arith.addi %iota3A, %add3A_228 : vector<512x128xi32>
    %lt3A_230 = arith.cmpf olt, %slice3A_226, %select_n3A_225 : vector<512x128xf32>
    %select_n3A_231 = arith.select %lt3A_230, %add3A_229, %select_n3A_224 : vector<512x128xi1>, vector<512x128xi32>
    %select_n3A_232 = arith.select %lt3A_230, %slice3A_226, %select_n3A_225 : vector<512x128xi1>, vector<512x128xf32>
    %slice3A_233 = vector.extract_strided_slice %add3A_14 {offsets = [0, 3968], sizes = [512, 128], strides = [1, 1]} : vector<512x4096xf32> to vector<512x128xf32>
    %add3A_234 = arith.constant 3968 : i32
    %add3A_235 = vector.broadcast %add3A_234 : i32 to vector<512x128xi32>
    %add3A_236 = arith.addi %iota3A, %add3A_235 : vector<512x128xi32>
    %lt3A_237 = arith.cmpf olt, %slice3A_233, %select_n3A_232 : vector<512x128xf32>
    %select_n3A_238 = arith.select %lt3A_237, %add3A_236, %select_n3A_231 : vector<512x128xi1>, vector<512x128xi32>
    %select_n3A_239 = arith.select %lt3A_237, %slice3A_233, %select_n3A_232 : vector<512x128xi1>, vector<512x128xf32>
    %reduce_min3A = arith.constant dense<0x7F800000> : vector<512xf32>
    %reduce_min3A_240 = vector.multi_reduction <minimumf>, %select_n3A_239, %reduce_min3A [1] : vector<512x128xf32> to vector<512xf32>
    %broadcast_in_dim3A_241 = vector.shape_cast %reduce_min3A_240 : vector<512xf32> to vector<512x1xf32>
    %eq3A = vector.broadcast %broadcast_in_dim3A_241 : vector<512x1xf32> to vector<512x128xf32>
    %eq3A_242 = arith.cmpf oeq, %select_n3A_239, %eq3A : vector<512x128xf32>
    %jit3A = arith.constant 8192 : i32
    %broadcast_in_dim3A_243 = vector.broadcast %jit3A : i32 to vector<512x128xi32>
    %select_n3A_244 = arith.select %eq3A_242, %select_n3A_238, %broadcast_in_dim3A_243 : vector<512x128xi1>, vector<512x128xi32>
    %reduce_min3A_245 = arith.constant dense<2147483647> : vector<512xi32>
    %reduce_min3A_246 = vector.multi_reduction <minsi>, %select_n3A_244, %reduce_min3A_245 [1] : vector<512x128xi32> to vector<512xi32>
    %convert_element_type3A = arith.truncf %reduce_min3A_240 : vector<512xf32> to vector<512xbf16>
    %convert_element_type3A_247 = arith.extf %convert_element_type3A : vector<512xbf16> to vector<512xf32>
    %get3A_248 = arith.constant 4096 : index
    %get3A_249 = arith.constant 0 : index
    %get3A_250 = vector.load %arg2[%get3A_248, %get3A_249] : memref<8192x32xf32, #tpu.memory_space<vmem>>, vector<4096x32xf32>
    %mul3A_251 = arith.mulf %get3A_250, %get3A_250 : vector<4096x32xf32>
    %reduce_sum3A_252 = arith.constant dense<0.000000e+00> : vector<4096xf32>
    %reduce_sum3A_253 = vector.multi_reduction <add>, %mul3A_251, %reduce_sum3A_252 [1] : vector<4096x32xf32> to vector<4096xf32>
    %dot_general3A_254 = arith.constant dense<0.000000e+00> : vector<512x4096xf32>
    %dot_general3A_255 = tpu.matmul %get3A_1, %get3A_250, %dot_general3A_254 {dimension_numbers = #tpu.dot_dimension_numbers<[1], [1], [0], [0], [0, 0, 1, 0], [], []>, transpose_lhs_hint = false} : vector<512x32xf32>, vector<4096x32xf32>, vector<512x4096xf32> -> vector<512x4096xf32>
    %mul3A_256 = arith.constant 2.000000e+00 : f32
    %mul3A_257 = vector.broadcast %mul3A_256 : f32 to vector<512x4096xf32>
    %mul3A_258 = arith.mulf %mul3A_257, %dot_general3A_255 : vector<512x4096xf32>
    %sub3A_259 = vector.broadcast %broadcast_in_dim3A : vector<512x1xf32> to vector<512x4096xf32>
    %sub3A_260 = arith.subf %sub3A_259, %mul3A_258 : vector<512x4096xf32>
    %broadcast_in_dim3A_261 = vector.shape_cast %reduce_sum3A_253 : vector<4096xf32> to vector<1x4096xf32>
    %add3A_262 = vector.broadcast %broadcast_in_dim3A_261 : vector<1x4096xf32> to vector<512x4096xf32>
    %add3A_263 = arith.addf %sub3A_260, %add3A_262 : vector<512x4096xf32>
    %broadcast_in_dim3A_264 = arith.constant 0x7F800000 : f32
    %broadcast_in_dim3A_265 = vector.broadcast %broadcast_in_dim3A_264 : f32 to vector<512x128xf32>
    %broadcast_in_dim3A_266 = arith.constant 0 : i32
    %broadcast_in_dim3A_267 = vector.broadcast %broadcast_in_dim3A_266 : i32 to vector<512x128xi32>
    %slice3A_268 = vector.extract_strided_slice %add3A_263 {offsets = [0, 0], sizes = [512, 128], strides = [1, 1]} : vector<512x4096xf32> to vector<512x128xf32>
    %add3A_269 = arith.constant 4096 : i32
    %add3A_270 = vector.broadcast %add3A_269 : i32 to vector<512x128xi32>
    %add3A_271 = arith.addi %iota3A, %add3A_270 : vector<512x128xi32>
    %lt3A_272 = arith.cmpf olt, %slice3A_268, %broadcast_in_dim3A_265 : vector<512x128xf32>
    %select_n3A_273 = arith.select %lt3A_272, %add3A_271, %broadcast_in_dim3A_267 : vector<512x128xi1>, vector<512x128xi32>
    %select_n3A_274 = arith.select %lt3A_272, %slice3A_268, %broadcast_in_dim3A_265 : vector<512x128xi1>, vector<512x128xf32>
    %slice3A_275 = vector.extract_strided_slice %add3A_263 {offsets = [0, 128], sizes = [512, 128], strides = [1, 1]} : vector<512x4096xf32> to vector<512x128xf32>
    %add3A_276 = arith.constant 4224 : i32
    %add3A_277 = vector.broadcast %add3A_276 : i32 to vector<512x128xi32>
    %add3A_278 = arith.addi %iota3A, %add3A_277 : vector<512x128xi32>
    %lt3A_279 = arith.cmpf olt, %slice3A_275, %select_n3A_274 : vector<512x128xf32>
    %select_n3A_280 = arith.select %lt3A_279, %add3A_278, %select_n3A_273 : vector<512x128xi1>, vector<512x128xi32>
    %select_n3A_281 = arith.select %lt3A_279, %slice3A_275, %select_n3A_274 : vector<512x128xi1>, vector<512x128xf32>
    %slice3A_282 = vector.extract_strided_slice %add3A_263 {offsets = [0, 256], sizes = [512, 128], strides = [1, 1]} : vector<512x4096xf32> to vector<512x128xf32>
    %add3A_283 = arith.constant 4352 : i32
    %add3A_284 = vector.broadcast %add3A_283 : i32 to vector<512x128xi32>
    %add3A_285 = arith.addi %iota3A, %add3A_284 : vector<512x128xi32>
    %lt3A_286 = arith.cmpf olt, %slice3A_282, %select_n3A_281 : vector<512x128xf32>
    %select_n3A_287 = arith.select %lt3A_286, %add3A_285, %select_n3A_280 : vector<512x128xi1>, vector<512x128xi32>
    %select_n3A_288 = arith.select %lt3A_286, %slice3A_282, %select_n3A_281 : vector<512x128xi1>, vector<512x128xf32>
    %slice3A_289 = vector.extract_strided_slice %add3A_263 {offsets = [0, 384], sizes = [512, 128], strides = [1, 1]} : vector<512x4096xf32> to vector<512x128xf32>
    %add3A_290 = arith.constant 4480 : i32
    %add3A_291 = vector.broadcast %add3A_290 : i32 to vector<512x128xi32>
    %add3A_292 = arith.addi %iota3A, %add3A_291 : vector<512x128xi32>
    %lt3A_293 = arith.cmpf olt, %slice3A_289, %select_n3A_288 : vector<512x128xf32>
    %select_n3A_294 = arith.select %lt3A_293, %add3A_292, %select_n3A_287 : vector<512x128xi1>, vector<512x128xi32>
    %select_n3A_295 = arith.select %lt3A_293, %slice3A_289, %select_n3A_288 : vector<512x128xi1>, vector<512x128xf32>
    %slice3A_296 = vector.extract_strided_slice %add3A_263 {offsets = [0, 512], sizes = [512, 128], strides = [1, 1]} : vector<512x4096xf32> to vector<512x128xf32>
    %add3A_297 = arith.constant 4608 : i32
    %add3A_298 = vector.broadcast %add3A_297 : i32 to vector<512x128xi32>
    %add3A_299 = arith.addi %iota3A, %add3A_298 : vector<512x128xi32>
    %lt3A_300 = arith.cmpf olt, %slice3A_296, %select_n3A_295 : vector<512x128xf32>
    %select_n3A_301 = arith.select %lt3A_300, %add3A_299, %select_n3A_294 : vector<512x128xi1>, vector<512x128xi32>
    %select_n3A_302 = arith.select %lt3A_300, %slice3A_296, %select_n3A_295 : vector<512x128xi1>, vector<512x128xf32>
    %slice3A_303 = vector.extract_strided_slice %add3A_263 {offsets = [0, 640], sizes = [512, 128], strides = [1, 1]} : vector<512x4096xf32> to vector<512x128xf32>
    %add3A_304 = arith.constant 4736 : i32
    %add3A_305 = vector.broadcast %add3A_304 : i32 to vector<512x128xi32>
    %add3A_306 = arith.addi %iota3A, %add3A_305 : vector<512x128xi32>
    %lt3A_307 = arith.cmpf olt, %slice3A_303, %select_n3A_302 : vector<512x128xf32>
    %select_n3A_308 = arith.select %lt3A_307, %add3A_306, %select_n3A_301 : vector<512x128xi1>, vector<512x128xi32>
    %select_n3A_309 = arith.select %lt3A_307, %slice3A_303, %select_n3A_302 : vector<512x128xi1>, vector<512x128xf32>
    %slice3A_310 = vector.extract_strided_slice %add3A_263 {offsets = [0, 768], sizes = [512, 128], strides = [1, 1]} : vector<512x4096xf32> to vector<512x128xf32>
    %add3A_311 = arith.constant 4864 : i32
    %add3A_312 = vector.broadcast %add3A_311 : i32 to vector<512x128xi32>
    %add3A_313 = arith.addi %iota3A, %add3A_312 : vector<512x128xi32>
    %lt3A_314 = arith.cmpf olt, %slice3A_310, %select_n3A_309 : vector<512x128xf32>
    %select_n3A_315 = arith.select %lt3A_314, %add3A_313, %select_n3A_308 : vector<512x128xi1>, vector<512x128xi32>
    %select_n3A_316 = arith.select %lt3A_314, %slice3A_310, %select_n3A_309 : vector<512x128xi1>, vector<512x128xf32>
    %slice3A_317 = vector.extract_strided_slice %add3A_263 {offsets = [0, 896], sizes = [512, 128], strides = [1, 1]} : vector<512x4096xf32> to vector<512x128xf32>
    %add3A_318 = arith.constant 4992 : i32
    %add3A_319 = vector.broadcast %add3A_318 : i32 to vector<512x128xi32>
    %add3A_320 = arith.addi %iota3A, %add3A_319 : vector<512x128xi32>
    %lt3A_321 = arith.cmpf olt, %slice3A_317, %select_n3A_316 : vector<512x128xf32>
    %select_n3A_322 = arith.select %lt3A_321, %add3A_320, %select_n3A_315 : vector<512x128xi1>, vector<512x128xi32>
    %select_n3A_323 = arith.select %lt3A_321, %slice3A_317, %select_n3A_316 : vector<512x128xi1>, vector<512x128xf32>
    %slice3A_324 = vector.extract_strided_slice %add3A_263 {offsets = [0, 1024], sizes = [512, 128], strides = [1, 1]} : vector<512x4096xf32> to vector<512x128xf32>
    %add3A_325 = arith.constant 5120 : i32
    %add3A_326 = vector.broadcast %add3A_325 : i32 to vector<512x128xi32>
    %add3A_327 = arith.addi %iota3A, %add3A_326 : vector<512x128xi32>
    %lt3A_328 = arith.cmpf olt, %slice3A_324, %select_n3A_323 : vector<512x128xf32>
    %select_n3A_329 = arith.select %lt3A_328, %add3A_327, %select_n3A_322 : vector<512x128xi1>, vector<512x128xi32>
    %select_n3A_330 = arith.select %lt3A_328, %slice3A_324, %select_n3A_323 : vector<512x128xi1>, vector<512x128xf32>
    %slice3A_331 = vector.extract_strided_slice %add3A_263 {offsets = [0, 1152], sizes = [512, 128], strides = [1, 1]} : vector<512x4096xf32> to vector<512x128xf32>
    %add3A_332 = arith.constant 5248 : i32
    %add3A_333 = vector.broadcast %add3A_332 : i32 to vector<512x128xi32>
    %add3A_334 = arith.addi %iota3A, %add3A_333 : vector<512x128xi32>
    %lt3A_335 = arith.cmpf olt, %slice3A_331, %select_n3A_330 : vector<512x128xf32>
    %select_n3A_336 = arith.select %lt3A_335, %add3A_334, %select_n3A_329 : vector<512x128xi1>, vector<512x128xi32>
    %select_n3A_337 = arith.select %lt3A_335, %slice3A_331, %select_n3A_330 : vector<512x128xi1>, vector<512x128xf32>
    %slice3A_338 = vector.extract_strided_slice %add3A_263 {offsets = [0, 1280], sizes = [512, 128], strides = [1, 1]} : vector<512x4096xf32> to vector<512x128xf32>
    %add3A_339 = arith.constant 5376 : i32
    %add3A_340 = vector.broadcast %add3A_339 : i32 to vector<512x128xi32>
    %add3A_341 = arith.addi %iota3A, %add3A_340 : vector<512x128xi32>
    %lt3A_342 = arith.cmpf olt, %slice3A_338, %select_n3A_337 : vector<512x128xf32>
    %select_n3A_343 = arith.select %lt3A_342, %add3A_341, %select_n3A_336 : vector<512x128xi1>, vector<512x128xi32>
    %select_n3A_344 = arith.select %lt3A_342, %slice3A_338, %select_n3A_337 : vector<512x128xi1>, vector<512x128xf32>
    %slice3A_345 = vector.extract_strided_slice %add3A_263 {offsets = [0, 1408], sizes = [512, 128], strides = [1, 1]} : vector<512x4096xf32> to vector<512x128xf32>
    %add3A_346 = arith.constant 5504 : i32
    %add3A_347 = vector.broadcast %add3A_346 : i32 to vector<512x128xi32>
    %add3A_348 = arith.addi %iota3A, %add3A_347 : vector<512x128xi32>
    %lt3A_349 = arith.cmpf olt, %slice3A_345, %select_n3A_344 : vector<512x128xf32>
    %select_n3A_350 = arith.select %lt3A_349, %add3A_348, %select_n3A_343 : vector<512x128xi1>, vector<512x128xi32>
    %select_n3A_351 = arith.select %lt3A_349, %slice3A_345, %select_n3A_344 : vector<512x128xi1>, vector<512x128xf32>
    %slice3A_352 = vector.extract_strided_slice %add3A_263 {offsets = [0, 1536], sizes = [512, 128], strides = [1, 1]} : vector<512x4096xf32> to vector<512x128xf32>
    %add3A_353 = arith.constant 5632 : i32
    %add3A_354 = vector.broadcast %add3A_353 : i32 to vector<512x128xi32>
    %add3A_355 = arith.addi %iota3A, %add3A_354 : vector<512x128xi32>
    %lt3A_356 = arith.cmpf olt, %slice3A_352, %select_n3A_351 : vector<512x128xf32>
    %select_n3A_357 = arith.select %lt3A_356, %add3A_355, %select_n3A_350 : vector<512x128xi1>, vector<512x128xi32>
    %select_n3A_358 = arith.select %lt3A_356, %slice3A_352, %select_n3A_351 : vector<512x128xi1>, vector<512x128xf32>
    %slice3A_359 = vector.extract_strided_slice %add3A_263 {offsets = [0, 1664], sizes = [512, 128], strides = [1, 1]} : vector<512x4096xf32> to vector<512x128xf32>
    %add3A_360 = arith.constant 5760 : i32
    %add3A_361 = vector.broadcast %add3A_360 : i32 to vector<512x128xi32>
    %add3A_362 = arith.addi %iota3A, %add3A_361 : vector<512x128xi32>
    %lt3A_363 = arith.cmpf olt, %slice3A_359, %select_n3A_358 : vector<512x128xf32>
    %select_n3A_364 = arith.select %lt3A_363, %add3A_362, %select_n3A_357 : vector<512x128xi1>, vector<512x128xi32>
    %select_n3A_365 = arith.select %lt3A_363, %slice3A_359, %select_n3A_358 : vector<512x128xi1>, vector<512x128xf32>
    %slice3A_366 = vector.extract_strided_slice %add3A_263 {offsets = [0, 1792], sizes = [512, 128], strides = [1, 1]} : vector<512x4096xf32> to vector<512x128xf32>
    %add3A_367 = arith.constant 5888 : i32
    %add3A_368 = vector.broadcast %add3A_367 : i32 to vector<512x128xi32>
    %add3A_369 = arith.addi %iota3A, %add3A_368 : vector<512x128xi32>
    %lt3A_370 = arith.cmpf olt, %slice3A_366, %select_n3A_365 : vector<512x128xf32>
    %select_n3A_371 = arith.select %lt3A_370, %add3A_369, %select_n3A_364 : vector<512x128xi1>, vector<512x128xi32>
    %select_n3A_372 = arith.select %lt3A_370, %slice3A_366, %select_n3A_365 : vector<512x128xi1>, vector<512x128xf32>
    %slice3A_373 = vector.extract_strided_slice %add3A_263 {offsets = [0, 1920], sizes = [512, 128], strides = [1, 1]} : vector<512x4096xf32> to vector<512x128xf32>
    %add3A_374 = arith.constant 6016 : i32
    %add3A_375 = vector.broadcast %add3A_374 : i32 to vector<512x128xi32>
    %add3A_376 = arith.addi %iota3A, %add3A_375 : vector<512x128xi32>
    %lt3A_377 = arith.cmpf olt, %slice3A_373, %select_n3A_372 : vector<512x128xf32>
    %select_n3A_378 = arith.select %lt3A_377, %add3A_376, %select_n3A_371 : vector<512x128xi1>, vector<512x128xi32>
    %select_n3A_379 = arith.select %lt3A_377, %slice3A_373, %select_n3A_372 : vector<512x128xi1>, vector<512x128xf32>
    %slice3A_380 = vector.extract_strided_slice %add3A_263 {offsets = [0, 2048], sizes = [512, 128], strides = [1, 1]} : vector<512x4096xf32> to vector<512x128xf32>
    %add3A_381 = arith.constant 6144 : i32
    %add3A_382 = vector.broadcast %add3A_381 : i32 to vector<512x128xi32>
    %add3A_383 = arith.addi %iota3A, %add3A_382 : vector<512x128xi32>
    %lt3A_384 = arith.cmpf olt, %slice3A_380, %select_n3A_379 : vector<512x128xf32>
    %select_n3A_385 = arith.select %lt3A_384, %add3A_383, %select_n3A_378 : vector<512x128xi1>, vector<512x128xi32>
    %select_n3A_386 = arith.select %lt3A_384, %slice3A_380, %select_n3A_379 : vector<512x128xi1>, vector<512x128xf32>
    %slice3A_387 = vector.extract_strided_slice %add3A_263 {offsets = [0, 2176], sizes = [512, 128], strides = [1, 1]} : vector<512x4096xf32> to vector<512x128xf32>
    %add3A_388 = arith.constant 6272 : i32
    %add3A_389 = vector.broadcast %add3A_388 : i32 to vector<512x128xi32>
    %add3A_390 = arith.addi %iota3A, %add3A_389 : vector<512x128xi32>
    %lt3A_391 = arith.cmpf olt, %slice3A_387, %select_n3A_386 : vector<512x128xf32>
    %select_n3A_392 = arith.select %lt3A_391, %add3A_390, %select_n3A_385 : vector<512x128xi1>, vector<512x128xi32>
    %select_n3A_393 = arith.select %lt3A_391, %slice3A_387, %select_n3A_386 : vector<512x128xi1>, vector<512x128xf32>
    %slice3A_394 = vector.extract_strided_slice %add3A_263 {offsets = [0, 2304], sizes = [512, 128], strides = [1, 1]} : vector<512x4096xf32> to vector<512x128xf32>
    %add3A_395 = arith.constant 6400 : i32
    %add3A_396 = vector.broadcast %add3A_395 : i32 to vector<512x128xi32>
    %add3A_397 = arith.addi %iota3A, %add3A_396 : vector<512x128xi32>
    %lt3A_398 = arith.cmpf olt, %slice3A_394, %select_n3A_393 : vector<512x128xf32>
    %select_n3A_399 = arith.select %lt3A_398, %add3A_397, %select_n3A_392 : vector<512x128xi1>, vector<512x128xi32>
    %select_n3A_400 = arith.select %lt3A_398, %slice3A_394, %select_n3A_393 : vector<512x128xi1>, vector<512x128xf32>
    %slice3A_401 = vector.extract_strided_slice %add3A_263 {offsets = [0, 2432], sizes = [512, 128], strides = [1, 1]} : vector<512x4096xf32> to vector<512x128xf32>
    %add3A_402 = arith.constant 6528 : i32
    %add3A_403 = vector.broadcast %add3A_402 : i32 to vector<512x128xi32>
    %add3A_404 = arith.addi %iota3A, %add3A_403 : vector<512x128xi32>
    %lt3A_405 = arith.cmpf olt, %slice3A_401, %select_n3A_400 : vector<512x128xf32>
    %select_n3A_406 = arith.select %lt3A_405, %add3A_404, %select_n3A_399 : vector<512x128xi1>, vector<512x128xi32>
    %select_n3A_407 = arith.select %lt3A_405, %slice3A_401, %select_n3A_400 : vector<512x128xi1>, vector<512x128xf32>
    %slice3A_408 = vector.extract_strided_slice %add3A_263 {offsets = [0, 2560], sizes = [512, 128], strides = [1, 1]} : vector<512x4096xf32> to vector<512x128xf32>
    %add3A_409 = arith.constant 6656 : i32
    %add3A_410 = vector.broadcast %add3A_409 : i32 to vector<512x128xi32>
    %add3A_411 = arith.addi %iota3A, %add3A_410 : vector<512x128xi32>
    %lt3A_412 = arith.cmpf olt, %slice3A_408, %select_n3A_407 : vector<512x128xf32>
    %select_n3A_413 = arith.select %lt3A_412, %add3A_411, %select_n3A_406 : vector<512x128xi1>, vector<512x128xi32>
    %select_n3A_414 = arith.select %lt3A_412, %slice3A_408, %select_n3A_407 : vector<512x128xi1>, vector<512x128xf32>
    %slice3A_415 = vector.extract_strided_slice %add3A_263 {offsets = [0, 2688], sizes = [512, 128], strides = [1, 1]} : vector<512x4096xf32> to vector<512x128xf32>
    %add3A_416 = arith.constant 6784 : i32
    %add3A_417 = vector.broadcast %add3A_416 : i32 to vector<512x128xi32>
    %add3A_418 = arith.addi %iota3A, %add3A_417 : vector<512x128xi32>
    %lt3A_419 = arith.cmpf olt, %slice3A_415, %select_n3A_414 : vector<512x128xf32>
    %select_n3A_420 = arith.select %lt3A_419, %add3A_418, %select_n3A_413 : vector<512x128xi1>, vector<512x128xi32>
    %select_n3A_421 = arith.select %lt3A_419, %slice3A_415, %select_n3A_414 : vector<512x128xi1>, vector<512x128xf32>
    %slice3A_422 = vector.extract_strided_slice %add3A_263 {offsets = [0, 2816], sizes = [512, 128], strides = [1, 1]} : vector<512x4096xf32> to vector<512x128xf32>
    %add3A_423 = arith.constant 6912 : i32
    %add3A_424 = vector.broadcast %add3A_423 : i32 to vector<512x128xi32>
    %add3A_425 = arith.addi %iota3A, %add3A_424 : vector<512x128xi32>
    %lt3A_426 = arith.cmpf olt, %slice3A_422, %select_n3A_421 : vector<512x128xf32>
    %select_n3A_427 = arith.select %lt3A_426, %add3A_425, %select_n3A_420 : vector<512x128xi1>, vector<512x128xi32>
    %select_n3A_428 = arith.select %lt3A_426, %slice3A_422, %select_n3A_421 : vector<512x128xi1>, vector<512x128xf32>
    %slice3A_429 = vector.extract_strided_slice %add3A_263 {offsets = [0, 2944], sizes = [512, 128], strides = [1, 1]} : vector<512x4096xf32> to vector<512x128xf32>
    %add3A_430 = arith.constant 7040 : i32
    %add3A_431 = vector.broadcast %add3A_430 : i32 to vector<512x128xi32>
    %add3A_432 = arith.addi %iota3A, %add3A_431 : vector<512x128xi32>
    %lt3A_433 = arith.cmpf olt, %slice3A_429, %select_n3A_428 : vector<512x128xf32>
    %select_n3A_434 = arith.select %lt3A_433, %add3A_432, %select_n3A_427 : vector<512x128xi1>, vector<512x128xi32>
    %select_n3A_435 = arith.select %lt3A_433, %slice3A_429, %select_n3A_428 : vector<512x128xi1>, vector<512x128xf32>
    %slice3A_436 = vector.extract_strided_slice %add3A_263 {offsets = [0, 3072], sizes = [512, 128], strides = [1, 1]} : vector<512x4096xf32> to vector<512x128xf32>
    %add3A_437 = arith.constant 7168 : i32
    %add3A_438 = vector.broadcast %add3A_437 : i32 to vector<512x128xi32>
    %add3A_439 = arith.addi %iota3A, %add3A_438 : vector<512x128xi32>
    %lt3A_440 = arith.cmpf olt, %slice3A_436, %select_n3A_435 : vector<512x128xf32>
    %select_n3A_441 = arith.select %lt3A_440, %add3A_439, %select_n3A_434 : vector<512x128xi1>, vector<512x128xi32>
    %select_n3A_442 = arith.select %lt3A_440, %slice3A_436, %select_n3A_435 : vector<512x128xi1>, vector<512x128xf32>
    %slice3A_443 = vector.extract_strided_slice %add3A_263 {offsets = [0, 3200], sizes = [512, 128], strides = [1, 1]} : vector<512x4096xf32> to vector<512x128xf32>
    %add3A_444 = arith.constant 7296 : i32
    %add3A_445 = vector.broadcast %add3A_444 : i32 to vector<512x128xi32>
    %add3A_446 = arith.addi %iota3A, %add3A_445 : vector<512x128xi32>
    %lt3A_447 = arith.cmpf olt, %slice3A_443, %select_n3A_442 : vector<512x128xf32>
    %select_n3A_448 = arith.select %lt3A_447, %add3A_446, %select_n3A_441 : vector<512x128xi1>, vector<512x128xi32>
    %select_n3A_449 = arith.select %lt3A_447, %slice3A_443, %select_n3A_442 : vector<512x128xi1>, vector<512x128xf32>
    %slice3A_450 = vector.extract_strided_slice %add3A_263 {offsets = [0, 3328], sizes = [512, 128], strides = [1, 1]} : vector<512x4096xf32> to vector<512x128xf32>
    %add3A_451 = arith.constant 7424 : i32
    %add3A_452 = vector.broadcast %add3A_451 : i32 to vector<512x128xi32>
    %add3A_453 = arith.addi %iota3A, %add3A_452 : vector<512x128xi32>
    %lt3A_454 = arith.cmpf olt, %slice3A_450, %select_n3A_449 : vector<512x128xf32>
    %select_n3A_455 = arith.select %lt3A_454, %add3A_453, %select_n3A_448 : vector<512x128xi1>, vector<512x128xi32>
    %select_n3A_456 = arith.select %lt3A_454, %slice3A_450, %select_n3A_449 : vector<512x128xi1>, vector<512x128xf32>
    %slice3A_457 = vector.extract_strided_slice %add3A_263 {offsets = [0, 3456], sizes = [512, 128], strides = [1, 1]} : vector<512x4096xf32> to vector<512x128xf32>
    %add3A_458 = arith.constant 7552 : i32
    %add3A_459 = vector.broadcast %add3A_458 : i32 to vector<512x128xi32>
    %add3A_460 = arith.addi %iota3A, %add3A_459 : vector<512x128xi32>
    %lt3A_461 = arith.cmpf olt, %slice3A_457, %select_n3A_456 : vector<512x128xf32>
    %select_n3A_462 = arith.select %lt3A_461, %add3A_460, %select_n3A_455 : vector<512x128xi1>, vector<512x128xi32>
    %select_n3A_463 = arith.select %lt3A_461, %slice3A_457, %select_n3A_456 : vector<512x128xi1>, vector<512x128xf32>
    %slice3A_464 = vector.extract_strided_slice %add3A_263 {offsets = [0, 3584], sizes = [512, 128], strides = [1, 1]} : vector<512x4096xf32> to vector<512x128xf32>
    %add3A_465 = arith.constant 7680 : i32
    %add3A_466 = vector.broadcast %add3A_465 : i32 to vector<512x128xi32>
    %add3A_467 = arith.addi %iota3A, %add3A_466 : vector<512x128xi32>
    %lt3A_468 = arith.cmpf olt, %slice3A_464, %select_n3A_463 : vector<512x128xf32>
    %select_n3A_469 = arith.select %lt3A_468, %add3A_467, %select_n3A_462 : vector<512x128xi1>, vector<512x128xi32>
    %select_n3A_470 = arith.select %lt3A_468, %slice3A_464, %select_n3A_463 : vector<512x128xi1>, vector<512x128xf32>
    %slice3A_471 = vector.extract_strided_slice %add3A_263 {offsets = [0, 3712], sizes = [512, 128], strides = [1, 1]} : vector<512x4096xf32> to vector<512x128xf32>
    %add3A_472 = arith.constant 7808 : i32
    %add3A_473 = vector.broadcast %add3A_472 : i32 to vector<512x128xi32>
    %add3A_474 = arith.addi %iota3A, %add3A_473 : vector<512x128xi32>
    %lt3A_475 = arith.cmpf olt, %slice3A_471, %select_n3A_470 : vector<512x128xf32>
    %select_n3A_476 = arith.select %lt3A_475, %add3A_474, %select_n3A_469 : vector<512x128xi1>, vector<512x128xi32>
    %select_n3A_477 = arith.select %lt3A_475, %slice3A_471, %select_n3A_470 : vector<512x128xi1>, vector<512x128xf32>
    %slice3A_478 = vector.extract_strided_slice %add3A_263 {offsets = [0, 3840], sizes = [512, 128], strides = [1, 1]} : vector<512x4096xf32> to vector<512x128xf32>
    %add3A_479 = arith.constant 7936 : i32
    %add3A_480 = vector.broadcast %add3A_479 : i32 to vector<512x128xi32>
    %add3A_481 = arith.addi %iota3A, %add3A_480 : vector<512x128xi32>
    %lt3A_482 = arith.cmpf olt, %slice3A_478, %select_n3A_477 : vector<512x128xf32>
    %select_n3A_483 = arith.select %lt3A_482, %add3A_481, %select_n3A_476 : vector<512x128xi1>, vector<512x128xi32>
    %select_n3A_484 = arith.select %lt3A_482, %slice3A_478, %select_n3A_477 : vector<512x128xi1>, vector<512x128xf32>
    %slice3A_485 = vector.extract_strided_slice %add3A_263 {offsets = [0, 3968], sizes = [512, 128], strides = [1, 1]} : vector<512x4096xf32> to vector<512x128xf32>
    %add3A_486 = arith.constant 8064 : i32
    %add3A_487 = vector.broadcast %add3A_486 : i32 to vector<512x128xi32>
    %add3A_488 = arith.addi %iota3A, %add3A_487 : vector<512x128xi32>
    %lt3A_489 = arith.cmpf olt, %slice3A_485, %select_n3A_484 : vector<512x128xf32>
    %select_n3A_490 = arith.select %lt3A_489, %add3A_488, %select_n3A_483 : vector<512x128xi1>, vector<512x128xi32>
    %select_n3A_491 = arith.select %lt3A_489, %slice3A_485, %select_n3A_484 : vector<512x128xi1>, vector<512x128xf32>
    %reduce_min3A_492 = arith.constant dense<0x7F800000> : vector<512xf32>
    %reduce_min3A_493 = vector.multi_reduction <minimumf>, %select_n3A_491, %reduce_min3A_492 [1] : vector<512x128xf32> to vector<512xf32>
    %broadcast_in_dim3A_494 = vector.shape_cast %reduce_min3A_493 : vector<512xf32> to vector<512x1xf32>
    %eq3A_495 = vector.broadcast %broadcast_in_dim3A_494 : vector<512x1xf32> to vector<512x128xf32>
    %eq3A_496 = arith.cmpf oeq, %select_n3A_491, %eq3A_495 : vector<512x128xf32>
    %jit3A_497 = arith.constant 8192 : i32
    %broadcast_in_dim3A_498 = vector.broadcast %jit3A_497 : i32 to vector<512x128xi32>
    %select_n3A_499 = arith.select %eq3A_496, %select_n3A_490, %broadcast_in_dim3A_498 : vector<512x128xi1>, vector<512x128xi32>
    %reduce_min3A_500 = arith.constant dense<2147483647> : vector<512xi32>
    %reduce_min3A_501 = vector.multi_reduction <minsi>, %select_n3A_499, %reduce_min3A_500 [1] : vector<512x128xi32> to vector<512xi32>
    %lt3A_502 = arith.cmpf olt, %reduce_min3A_493, %convert_element_type3A_247 : vector<512xf32>
    %select_n3A_503 = arith.select %lt3A_502, %reduce_min3A_501, %reduce_min3A_246 : vector<512xi1>, vector<512xi32>
    %swap3A = arith.constant 0 : index
    %swap3A_504 = vector.load %arg4[%swap3A] : memref<512xi32, #tpu.memory_space<vmem>>, vector<512xi32>
    tpu.vector_store %arg4[%swap3A], %select_n3A_503 {strides = array<i32>} : memref<512xi32, #tpu.memory_space<vmem>>, vector<512xi32>,
    return
  }
  func.func @transform_0(%arg0: i32) -> (i32, i32) {
    %c0_i32 = arith.constant 0 : i32
    %c0_i32_0 = arith.constant 0 : i32
    return %arg0, %c0_i32 : i32, i32
  }
  func.func @transform_1(%arg0: i32) -> (i32, i32) {
    %c0_i32 = arith.constant 0 : i32
    %c0_i32_0 = arith.constant 0 : i32
    %c0_i32_1 = arith.constant 0 : i32
    return %c0_i32, %c0_i32_0 : i32, i32
  }
  func.func @transform_2(%arg0: i32) -> i32 {
    %c0_i32 = arith.constant 0 : i32
    return %arg0 : i32
  }
  func.func @transform_3(%arg0: i32) -> i32 {
    %c0_i32 = arith.constant 0 : i32
    return %arg0 : i32
  }
}

</mosaic_0001>

<sc_bundles>
// kernel: kernel.4.cloned.1.call-start
scs
__scs_entry_jumppad:
0x0: {  	(pc) =	sbr.rel $0x88, $3  }
0x1: {  	(tag) =	ssettag $0x0;
	lr =	simm.s32 $0x1  }
0x2: {  	[smem:$0x3F9F] =	sst lr;
	_ =	strace $0xD0000000  }
0x3: {  	_ = 	snop  }
0x4: {  	_ = 	snop  }
0x5: {  	_ = 	snop  }
0x6: {  	_ = 	snop  }
0x7: {  	_ = 	snop  }
__scs_overlays_trampoline_lowered:
0x8: {  	[smem:$0x3FAE] =	sst s0  }
0x9: {  	[smem:$0x3FAF] =	sst s1  }
0xa: {  	[smem:$0x3FB0] =	sst s2  }
0xb: {  	[smem:$0x3FB1] =	sst s3  }
0xc: {  	[smem:$0x3FB2] =	sst s4  }
0xd: {  	[smem:$0x3FB3] =	sst s5  }
0xe: {  	[smem:$0x3FB4] =	sst s6  }
0xf: {  	[smem:$0x3FB5] =	sst s7  }
0x10: {  	[smem:$0x3FB6] =	sst s8  }
0x11: {  	[smem:$0x3FB7] =	sst s9;
	s0 =	simm.s32 @!p0 $0x0  }
0x12: {  	s1 =	sld [smem:$0x3F9D];
	s0 =	simm.s32 @p0 $0x1  }
0x13: {  	[smem:$0x3FB8] =	sst s0;
	s0 =	simm.s32 @!p1 $0x0  }
0x14: {  	s2 =	sld [smem:$0x3F9C];
	s0 =	simm.s32 @p1 $0x1  }
0x15: {  	[smem:$0x3FB9] =	sst s0;
	s0 =	simm.s32 @!p2 $0x0  }
0x16: {  	s3 =	sld [smem:$0x3FDB];
	s0 =	simm.s32 @p2 $0x1  }
0x17: {  	s4 =	simm.s32 $0x1BF5;
	[smem:$0x3FBB] =	sst s0  }
0x18: {  	s0 =	sld [smem:$0x3F9E];
	_ =	swait.ge [sflag:s4], $0x0  }
0x19: {  	s7 =	sld [smem:$0x3F9F]  }
0x1a: {  	s8 =	sadd.s32 $0xFFFFE003, lr  }
0x1b: {  	s9 =	sadd.s32 $0xFFFFFEF7, lr;
	s5 =	simm.s32 $0xFFFFFFFF;
	p2 =	slt.u32 s8, $0xFFFFF086  }
0x1c: {  	p1 =	slt.u32 s9, $0xF7A;
	s5 =	simm.s32 @!p2 $0x0  }
0x1d: {  	s5 =	simm.s32 @p1 $0x1;
	p0 =	seq.s32 s7, s2  }
0x1e: {  	s7 =	smul.u32 @!p0 $0xF7A, s2;
	p2 =	seq.s32 @!p0 s5, $0x0  }
0x1f: {  	s9 =	smul.u32 $0xF7A, s1;
	s8 =	simm.s32 @!p0 $0x1BF5;
	p2 =	por !p2, p0  }
0x20: {  	[sflag:s8] =	ssyncset.s32 @!p0 $0xFFFFF086;
	s6 =	sadd.s32 @!p0 s3, s7;
	s7 =	simm.s32 @!p0 $0x108  }
0x21: {  	s3 =	sadd.s32 s3, s9;
	s6 =	sadd.s32 @!p0 $0x88, s6;
	s7 =	simm.s32 @p2 $0x1082  }
0x22: {  	[simem:s7], [sflag:s8] =	dma.local @!p0 [hbm:s6], $0xF7A  }
0x23: {  	s9 =	sor.u32 $0xD0000000, s2;
	s6 =	simm.s32 $0x108;
	_ =	swait.ge @!p0 [sflag:s8], $0x0  }
0x24: {  	s3 =	sadd.s32 $0x88, s3;
	s6 =	simm.s32 @!p1 $0x1082;
	[sflag:s4] =	ssyncset.s32 $0xFFFFF086  }
0x25: {  	[simem:s6], [sflag:s4] =	dma.local [hbm:s3], $0xF7A  }
0x26: {  	[smem:$0x3F9F] =	sst s1;
	(tag) =	ssettag s2;
	_ =	strace s9  }
0x27: {  	s1 =	sld [smem:$0x3FAF]  }
0x28: {  	s2 =	sld [smem:$0x3FB0]  }
0x29: {  	s4 =	sld [smem:$0x3FB2]  }
0x2a: {  	p0 =	seq.s32 s5, $0x0;
	s5 =	sld [smem:$0x3FB3]  }
0x2b: {  	s6 =	sld [smem:$0x3FB4]  }
0x2c: {  	s7 =	sld [smem:$0x3FB5]  }
0x2d: {  	s3 =	simm.s32 $0x108;
	s8 =	sld [smem:$0x3FB6]  }
0x2e: {  	s3 =	simm.s32 @!p0 $0x1082;
	s9 =	sld [smem:$0x3FB7]  }
0x2f: {  	lr =	sadd.s32 s0, s3;
	s0 =	sld [smem:$0x3FAE]  }
0x30: {  	s3 =	sld [smem:$0x3FB1]  }
0x31: {  	[smem:$0x3FBA] =	sst s10  }
0x32: {  	s10 =	sld [smem:$0x3FB8];
	_ =	sdelay $0x3  }
0x33: {  	p0 =	seq.s32 s10, $0x1;
	s10 =	sld [smem:$0x3FBA];
	_ =	sdelay $0x3  }
0x34: {  	[smem:$0x3FBA] =	sst s10  }
0x35: {  	s10 =	sld [smem:$0x3FB9];
	_ =	sdelay $0x3  }
0x36: {  	p1 =	seq.s32 s10, $0x1;
	s10 =	sld [smem:$0x3FBA];
	_ =	sdelay $0x3  }
0x37: {  	[smem:$0x3FBA] =	sst s10  }
0x38: {  	s10 =	sld [smem:$0x3FBB]  }
0x39: {  	_ = 	snop;
	(pc) =	sbr.ind lr, $3  }
0x3a: {  	_ = 	snop  }
0x3b: {  	_ = 	snop  }
0x3c: {  	p2 =	seq.s32 s10, $0x1;
	s10 =	sld [smem:$0x3FBA]  }
0x3d: {  	_ =	shalt  }
0x3e: {  	_ =	shalt  }
0x3f: {  	_ =	shalt  }
0x40: {  	_ =	shalt  }
0x41: {  	_ =	shalt  }
0x42: {  	_ =	shalt  }
0x43: {  	_ =	shalt  }
0x44: {  	_ =	shalt  }
0x45: {  	_ =	shalt  }
0x46: {  	_ =	shalt  }
0x47: {  	_ =	shalt  }
0x48: {  	_ =	shalt  }
0x49: {  	_ =	shalt  }
0x4a: {  	_ =	shalt  }
0x4b: {  	_ =	shalt  }
0x4c: {  	_ =	shalt  }
0x4d: {  	_ =	shalt  }
0x4e: {  	_ =	shalt  }
0x4f: {  	_ =	shalt  }
0x50: {  	_ =	shalt  }
0x51: {  	_ =	shalt  }
0x52: {  	_ =	shalt  }
0x53: {  	_ =	shalt  }
0x54: {  	_ =	shalt  }
0x55: {  	_ =	shalt  }
0x56: {  	_ =	shalt  }
0x57: {  	_ =	shalt  }
0x58: {  	_ =	shalt  }
0x59: {  	_ =	shalt  }
0x5a: {  	_ =	shalt  }
0x5b: {  	_ =	shalt  }
0x5c: {  	_ =	shalt  }
0x5d: {  	_ =	shalt  }
0x5e: {  	_ =	shalt  }
0x5f: {  	_ =	shalt  }
0x60: {  	_ =	shalt  }
0x61: {  	_ =	shalt  }
0x62: {  	_ =	shalt  }
0x63: {  	_ =	shalt  }
0x64: {  	_ =	shalt  }
0x65: {  	_ =	shalt  }
0x66: {  	_ =	shalt  }
0x67: {  	_ =	shalt  }
0x68: {  	_ =	shalt  }
0x69: {  	_ =	shalt  }
0x6a: {  	_ =	shalt  }
0x6b: {  	_ =	shalt  }
0x6c: {  	_ =	shalt  }
0x6d: {  	_ =	shalt  }
0x6e: {  	_ =	shalt  }
0x6f: {  	_ =	shalt  }
0x70: {  	_ =	shalt  }
0x71: {  	_ =	shalt  }
0x72: {  	_ =	shalt  }
0x73: {  	_ =	shalt  }
0x74: {  	_ =	shalt  }
0x75: {  	_ =	shalt  }
0x76: {  	_ =	shalt  }
0x77: {  	_ =	shalt  }
0x78: {  	_ =	shalt  }
0x79: {  	_ =	shalt  }
0x7a: {  	_ =	shalt  }
0x7b: {  	_ =	shalt  }
0x7c: {  	_ =	shalt  }
0x7d: {  	_ =	shalt  }
0x7e: {  	_ =	shalt  }
0x7f: {  	_ =	shalt  }
0x80: {  	_ =	shalt  }
0x81: {  	_ =	shalt  }
0x82: {  	_ =	shalt  }
0x83: {  	_ =	shalt  }
0x84: {  	_ =	shalt  }
0x85: {  	_ =	shalt  }
0x86: {  	_ =	shalt  }
0x87: {  	_ =	shalt  }
.Lfunc_end0:
.L_simem_size_0:
called_computation_lowered:
.L_overlay_start_0:
0x88: {  	s2 =	sld [smem:$0x3FD9]  }
0x89: {  	s3 =	sld [smem:$0x3FFE];
	_ =	sdelay $0x1  }
0x8a: {  	s1 =	srdreg.scid  }
0x8b: {  	s0 =	sand.u32 $0x1, s1  }
0x8c: {  	s14 =	sshll.u32 s0, $0xA;
	s2 =	sadd.s32 s3, s2  }
0x8d: {  	s2 =	sadd.s32 s2, s14  }
0x8e: {  	[smem:$0x3FC6] =	sst s2  }
0x8f: {  	_ = 	snop  }
0x90: {  	s2 =	sld [smem:$0x3FD0];
	_ =	sdelay $0x2  }
0x91: {  	s15 =	simm.s32 $0xA;
	s4 =	simm.s32 $0x10  }
0x92: {  	[smem:s4], [sflag:s15] =	dma.local [hbm:s2], $0x1  }
0x93: {  	_ =	swait.eq [sflag:s15], $0x1  }
0x94: {  	[sflag:s15] =	ssyncset.done $0x0  }
0x95: {  	s16 =	sld [smem:$0x10];
	[sflag:s15] =	ssyncadd.s32 $0xFFFFFFFF  }
0x96: {  	s17 =	sld [smem:$0x11];
	(tm) =	ssettm $0x1  }
0x97: {  	s18 =	sld [smem:$0x3FFB];
	_ =	sdelay $0x3  }
0x98: {  	_ =	strace s18  }
0x99: {  	s4 =	sld [smem:$0x3FFC];
	_ =	sdelay $0x3  }
0x9a: {  	_ =	strace s4  }
0x9b: {  	s4 =	sld [smem:$0x3FFD];
	_ =	sdelay $0x3  }
0x9c: {  	_ =	strace s4  }
0x9d: {  	_ =	strace $0x8FFFFFFF  }
0x9e: {  	s19 =	sld [smem:$0x3FDB];
	_ =	sdelay $0x1  }
0x9f: {  	s5 =	simm.s32 $_scs_section_size  }
0xa0: {  	s6 =	simm.s32 $_size__tile_overlayer_lowered;
	s7 =	simm.s32 $_tile_overlayer_lowered  }
0xa1: {  	s22 =	simm.s32 $0x1BFF;
	s21 =	sshll.u32 s7, $0x1;
	s4 =	sadd.s32 s5, s19  }
0xa2: {  	s8 =	simm.s32 $0x0;
	s20 =	sshll.u32 s6, $0x1;
	s6 =	sadd.s32 s21, s4  }
0xa3: {  	[timem:s8], [sflag:s22] =	dma.local [hbm:s6], s20  }
0xa4: {  	_ =	swait.ge [sflag:s22], s20  }
0xa5: {  	s5 =	ssub.s32 $0x0, s20;
	[sflag:s22] =	ssyncset.done $0x0  }
0xa6: {  	[sflag:s22] =	ssyncadd.s32 s5;
	_ =	sdelay $0x1  }
0xa7: {  	s23 =	simm.s32 $0x1B8B  }
0xa8: {  	_ =	swait.ge [sflag:s23], $0x1  }
0xa9: {  	[sflag:s23] =	ssyncset.done $0x0  }
0xaa: {  	s25 =	simm.s32 $0x1B8E;
	s24 =	sld [smem:$0x3FFE];
	[sflag:s23] =	ssyncadd.s32 $0xFFFFFFFF  }
0xab: {  	s26 =	simm.s32 $execute0_lowered;
	[smem:$0x3FD2] =	sst s25  }
0xac: {  	s6 =	sshll.u32 s26, $0x1;
	_ =	strace $0x80000046;
	[dreg:$0x1] =	wrdreg $0xFFFFFFFF  }
0xad: {  	s28 =	simm.s32 $_size_execute0_lowered;
	s4 =	sadd.s32 s4, s6;
	[dreg:$0x0] =	wrdreg $0x0  }
0xae: {  	s6 =	sshll.u32 s28, $0x1;
	[dreg:$0x2] =	wrdreg s4  }
0xaf: {  	[dreg:$0x3] =	wrdreg s6  }
0xb0: {  	[dreg:$0x4] =	wrdreg $0xC0  }
0xb1: {  	_ =	task [dreg:s8], $0x5FFFF  }
0xb2: {  	[dreg:$0x1] =	wrdreg $0xFFFFFFFF  }
0xb3: {  	[dreg:$0x0] =	wrdreg $0x60  }
0xb4: {  	[dreg:$0x2] =	wrdreg s16  }
0xb5: {  	[dreg:$0x3] =	wrdreg s24  }
0xb6: {  	[dreg:$0x4] =	wrdreg s17  }
0xb7: {  	[dreg:$0x5] =	wrdreg $0x9  }
0xb8: {  	_ =	task.clear_ibuf [dreg:s8], $0x6FFFF;
	_ =	strace $0x90000046  }
0xb9: {  	s29 =	simm.s32 $0x9;
	_ =	strace $0x80000048  }
0xba: {  	_ =	swait.ge [sflag:s29], $0x1  }
0xbb: {  	[sflag:s29] =	ssyncadd.s32 $0xFFFFFFFF  }
0xbc: {  	_ =	strace $0x90000048  }
0xbd: {  	_ =	sfence  }
0xbe: {  	s30 =	sld [smem:$0x0];
	_ =	sdelay $0x2  }
0xbf: {  	s31 =	sshll.u32 s1, $0xD;
	s1 =	sshrl.u32 s1, $0x2  }
0xc0: {  	s3 =	sand.u32 $0x4000, s31;
	s1 =	sadd.s32 s1, s30  }
0xc1: {  	s0 =	sor.u32 s3, s0;
	s1 =	sshll.u32 s1, $0x11  }
0xc2: {  	s0 =	sor.u32 s1, s0  }
0xc3: {  	s0 =	sadd.s32 $0x8F2B, s0  }
0xc4: {  	[sflag:s0] =	ssyncadd.remote.s32 $0x1  }
0xc5: {  	_ =	sfence.sel $0xFFFF  }
0xc6: {  	[dreg:$0x0] =	wrdreg $0xFFFFFFFF;
	(pc) =	sbr.abs _section_cstart, $3  }
0xc7: {  	[dreg:$0x1] =	wrdreg $0xFFFFFFFF  }
0xc8: {  	_ =	task.clear_ibuf [dreg:s8], $0x2FFFF;
	_ =	strace $0x9FFFFFFF  }
0xc9: {  	(tm) =	ssettm $0x7FFFFFFF  }
tec
execute0_lowered:
.L_overlay_start_1:
0x0: {  	(tag) =	ssettag $0x1  }
0x1: {  	s2 =	srdreg.scid  }
0x2: {  	s1 =	rddreg [dreg:$0x0];
	s0 =	stileid.u32;
	s6 =	sand.u32 $0x1, s2  }
0x3: {  	s4 =	rddreg [dreg:$0x1];
	s30 =	sshll.u32 s0, $0xA;
	s3 =	sshll.u32 s6, $0x9  }
0x4: {  	s8 =	rddreg [dreg:$0x2];
	s9 =	sor.u32 s3, s30  }
0x5: {  	s2 =	rddreg [dreg:$0x3];
	s3 =	simm.s32 $0x0;
	s5 =	sshrl.u32 s9, $0x3  }
0x6: {  	s10 =	ssub.s32 $0x2, s6;
	[smem:$0x7FF] =	sst s3;
	s4 =	sadd.s32 s5, s4  }
0x7: {  	_ =	strace $0x80000047;
	s5 =	sadd.s32 $0x800, s4;
	s4 =	simm.s32 $0x2  }
0x8: {  	[tilespmem:s3], [sflag:$0x2] =	stream.linear.gather [hbm4b:s5+s3], $0x200, $0x38;
	[tilespmem:$0x4200] =	vst v63  }
0x9: {  	s11 =	sshrl.u32 s10, $0x1;
	_ =	swait.ge [sflag:s4], $0x200  }
0xa: {  	s7 =	simm.s32 $0x1;
	s10 =	ssub.s32 s10, s11;
	[sflag:s4] =	ssyncset.done $0x0  }
0xb: {  	s6 =	simm.s32 $0x200;
	s31 =	smax.u32 s10, $0x1;
	[sflag:s4] =	ssyncadd.s32 $0xFFFFFE00  }
0xc: {  	[tilespmem:s6], [sflag:$0x1] =	stream.indirect.gather [hbm4b:s1+s6], $0x20, s3, s6, $0xb8;
	[tilespmem:$0x4200] =	vst v63  }
0xd: {  	p0 =	sne.s32 s31, $0x1;
	_ =	swait.ge [sflag:s7], $0x4000  }
.Ltmp0:
0xe: {  	s9 =	sshll.u32 s9, $0x2;
	[sflag:s7] =	ssyncset.done $0x0;
	(pc) =	sbr.rel @!p0 .LBB2_2-.Ltmp0, $4  }
0xf: {  	s8 =	sadd.s32 s8, s9;
	[sflag:s7] =	ssyncadd.s32 $0xFFFFC000  }
0x10: {  	[hbm4b:s8+s3] =	stream.linear.scatter [tilespmem:s6], [sflag:$0x2], $0x4000, $0x38;
	[tilespmem:$0x4200] =	vst v63  }
0x11: {  	_ =	swait.ge [sflag:s4], $0x4000  }
0x12: {  	s9 =	sadd.s32 $0xFFFFFFFF, s31;
	[sflag:s4] =	ssyncset.done $0x0  }
.LBB2_1:
0x13: {  	p0 =	sne.s32 s9, $0x1;
	s9 =	sadd.s32 $0xFFFFFFFF, s9;
	[sflag:s4] =	ssyncadd.s32 $0xFFFFC000  }
0x14: {  	[tilespmem:s3], [sflag:$0x2] =	stream.linear.gather [hbm4b:s5+s3], $0x200, $0x38;
	[tilespmem:$0x4200] =	vst v63  }
0x15: {  	_ =	swait.ge [sflag:s4], $0x200  }
0x16: {  	[sflag:s4] =	ssyncset.done $0x0  }
0x17: {  	[sflag:s4] =	ssyncadd.s32 $0xFFFFFE00  }
0x18: {  	[tilespmem:s6], [sflag:$0x1] =	stream.indirect.gather [hbm4b:s1+s6], $0x20, s3, s6, $0xb8;
	[tilespmem:$0x4200] =	vst v63  }
0x19: {  	_ =	swait.ge [sflag:s7], $0x4000  }
.Ltmp1:
0x1a: {  	[sflag:s7] =	ssyncset.done $0x0;
	(pc) =	sbr.rel @p0 .LBB2_1-.Ltmp1, $4  }
0x1b: {  	[sflag:s7] =	ssyncadd.s32 $0xFFFFC000  }
0x1c: {  	[hbm4b:s8+s3] =	stream.linear.scatter [tilespmem:s6], [sflag:$0x2], $0x4000, $0x38;
	[tilespmem:$0x4200] =	vst v63  }
0x1d: {  	_ =	swait.ge [sflag:s4], $0x4000  }
0x1e: {  	[sflag:s4] =	ssyncset.done $0x0  }
.LBB2_2:
0x1f: {  	[sflag:s4] =	ssyncadd.s32 $0xFFFFC000  }
0x20: {  	_ =	sfence.sel $0x180000  }
0x21: {  	[bflag:$0x0] =	sbarrier.arrive $0xFFFF  }
0x22: {  	p0 =	sne.s32 s0, $0x0;
	_ =	strace $0x90000047  }
0x23: {  	s0 =	sadd.s32 @!p0 $0x100000, s2;
	[bflag:$0x2] =	sbarrier.arrive $0xFFFF  }
0x24: {  	[sflag:s0] =	ssyncadd.tile.s32 @!p0 $0x1;
	_ =	shalt  }
.Lfunc_end2:
_tile_overlayer_lowered:
.L_overlay_start_2:
0x25: {  	(tag) =	ssettag $0x2  }
0x26: {  	s0 =	rddreg [dreg:$0x0];
	s2 =	stileid.u32  }
0x27: {  	s1 =	rddreg [dreg:$0x1];
	p0 =	sne.s32 s2, $0x0  }
0x28: {  	s3 =	rddreg [dreg:$0x2];
	[bflag:$0x3] =	sbarrier.arrive $0xFFFF;
	s2 =	simm.s32 @!p0 $0x1C02  }
0x29: {  	[timem:s3], [sflag:s2] =	dma.local @!p0 [hbm:s0], s1  }
0x2a: {  	s0 =	simm.s32 @!p0 $0x2  }
0x2b: {  	_ =	swait.ge @!p0 [sflag:s0], s1  }
0x2c: {  	s1 =	ssub.s32 @!p0 $0x0, s1;
	[sflag:s0] =	ssyncset.done @!p0 $0x0  }
0x2d: {  	[sflag:s0] =	ssyncadd.s32 @!p0 s1  }
0x2e: {  	[bflag:$0x3] =	sbarrier.arrive $0xFFFF  }
0x2f: {  	_ =	shalt  }

</sc_bundles>
